<compile_context>
chip_gen: v7x
topology: tpu7x:2x2x1
jax: 0.10.2.dev20260603
libtpu: 0.0.44.dev20260713+nightly
codegen_flags: <defaults>
</compile_context>

<pallas_src>
import functools

import jax
import jax.numpy as jnp
from jax import lax
from jax.experimental import pallas as pl
from jax.experimental.pallas import tpu as pltpu
from jax.experimental.pallas import tpu_sc as plsc

N = 50000
P = 512
D = 64
C = 128
W = 500.0


def _build_body(vfT_ref, scT_ref, bT_ref, comb_ref):
    vfT = vfT_ref[...]
    cf = scT_ref[...].astype(jnp.float32)
    wb = bT_ref[...].astype(jnp.float32) * W
    one = jnp.ones_like(wb)
    a2 = (jnp.sum(cf * cf, axis=0, keepdims=True) + wb * wb)
    metaT = jnp.concatenate([cf, wb, one, a2], axis=0)
    bb = vfT.shape[1]
    zer2 = jnp.zeros((bb, C - D - 6), jnp.float32)
    comb_ref[...] = jnp.concatenate(
        [vfT.T, metaT.T, zer2], axis=1)


def _build_combined(vfT, scT, bT, block_n=4096):
    grid = (pl.cdiv(N, block_n),)
    return pl.pallas_call(
        _build_body,
        grid=grid,
        in_specs=[
            pl.BlockSpec((D, block_n), lambda i: (0, i)),
            pl.BlockSpec((3, block_n), lambda i: (0, i)),
            pl.BlockSpec((1, block_n), lambda i: (0, i)),
        ],
        out_specs=pl.BlockSpec((block_n, C), lambda i: (i, 0)),
        out_shape=jax.ShapeDtypeStruct((N, C), jnp.float32),
        compiler_params=pltpu.CompilerParams(
            dimension_semantics=("arbitrary",),
        ),
    )(vfT, scT, bT)


def _sc_gather(combined, peak_indices):
    info = plsc.get_sparse_core_info()
    nc, ns = info.num_cores, info.num_subcores
    nw = nc * ns
    bpw = P // nw

    mesh = plsc.VectorSubcoreMesh(core_axis_name="c", subcore_axis_name="s")

    @functools.partial(
        pl.kernel,
        mesh=mesh,
        out_type=jax.ShapeDtypeStruct((P, C), jnp.float32),
        scratch_types=[
            pltpu.VMEM((bpw,), jnp.int32),
            pltpu.VMEM((bpw, C), jnp.float32),
            pltpu.SemaphoreType.DMA,
        ],
        compiler_params=pltpu.CompilerParams(use_tc_tiling_on_sc=True),
    )
    def k(table_hbm, idx_hbm, out_hbm, idx_v, rows_v, sem):
        wid = lax.axis_index("s") * nc + lax.axis_index("c")
        base = wid * bpw
        pltpu.sync_copy(idx_hbm.at[pl.ds(base, bpw)], idx_v)
        pltpu.async_copy(table_hbm.at[idx_v], rows_v, sem).wait()
        pltpu.sync_copy(rows_v, out_hbm.at[pl.ds(base, bpw)])

    return k(combined, peak_indices)


_LOG2E = 1.4426950408889634


def _tc_body(vfT_ref, scT_ref, bT_ref, g_ref, confT_ref, out_ref,
             cfT_ref, rhs_ref):
    i = pl.program_id(0)

    @pl.when(i == 0)
    def _():
        g = g_ref[...]
        pr = g[:, 0:D]
        ps = jnp.sum(pr * pr, axis=1, keepdims=True)
        prn = pr * lax.rsqrt(jnp.maximum(ps, 1e-24))
        cfT_ref[...] = prn.T * confT_ref[...]
        pT = g[:, D:D + 8].T
        pm = pT[0:4, :]
        b2 = pT[5:6, :]
        rhs_ref[...] = jnp.concatenate(
            [-2.0 * pm, b2, jnp.ones_like(b2)], axis=0)

    x = vfT_ref[...]
    s = jnp.sum(x * x, axis=0, keepdims=True)
    xn = x * lax.rsqrt(jnp.maximum(s, 1e-24))
    logits = lax.dot_general(
        xn, cfT_ref[...], (((0,), (0,)), ((), ())),
        preferred_element_type=jnp.float32)

    cf = scT_ref[...].astype(jnp.float32)
    wb = bT_ref[...].astype(jnp.float32) * W
    one = jnp.ones_like(wb)
    a2 = (jnp.sum(cf * cf, axis=0, keepdims=True) + wb * wb)
    lhsT = jnp.concatenate([cf, wb, one, a2], axis=0)
    d2 = lax.dot_general(
        lhsT, rhs_ref[...], (((0,), (0,)), ((), ())),
        preferred_element_type=jnp.float32)
    q = jnp.maximum(d2, 0.01)
    sdist = (q * _LOG2E) * lax.rsqrt(q)
    smin = jnp.min(sdist, axis=1, keepdims=True)
    e = jnp.exp2(smin - sdist)
    r = 1.0 / jnp.maximum(jnp.sum(e, axis=1, keepdims=True), 1e-30)
    outv = jnp.clip(logits * (e * r), -10.0, 10.0)
    same = d2 < (W * W * 0.5)
    out_ref[...] = jnp.where(same, outv, -jnp.inf)


def _tc_affinity(vfT, scT, bT, g, confT, block_n):
    grid = (pl.cdiv(N, block_n),)
    return pl.pallas_call(
        _tc_body,
        grid=grid,
        in_specs=[
            pl.BlockSpec((D, block_n), lambda i: (0, i)),
            pl.BlockSpec((3, block_n), lambda i: (0, i)),
            pl.BlockSpec((1, block_n), lambda i: (0, i)),
            pl.BlockSpec((P, C), lambda i: (0, 0)),
            pl.BlockSpec((1, P), lambda i: (0, 0)),
        ],
        out_specs=pl.BlockSpec((block_n, P), lambda i: (i, 0)),
        out_shape=jax.ShapeDtypeStruct((N, P), jnp.float32),
        scratch_shapes=[pltpu.VMEM((D, P), jnp.float32),
                        pltpu.VMEM((6, P), jnp.float32)],
        compiler_params=pltpu.CompilerParams(
            dimension_semantics=("arbitrary",),
        ),
    )(vfT, scT, bT, g, confT)


def kernel(voxel_feats, centroid_confidences, batch_ids, spatial_coords,
           peak_indices):
    vfT = voxel_feats.T
    scT = spatial_coords.T
    bT = batch_ids[None, :]
    combined = _build_combined(vfT, scT, bT)
    g = _sc_gather(combined, peak_indices)
    confT = centroid_confidences.T
    return _tc_affinity(vfT, scT, bT, g, confT, block_n=4096)

# --- scband reference (transcript-rebuilt; emitter-appended) ---
"""Pipeline reference for scband-instance-head-67877663146300 (READ-ONLY COPY).

The authoritative reference and input builder live on the scoring server;
editing this copy changes nothing except your own understanding.
"""

import jax, jax.numpy as jnp
import numpy as np

N = 50000
P = 512
D = 64
B = 4
R = 128

def setup_inputs(seed: int = 0) -> dict:
    key = jax.random.key(seed)
    k1, k2, k3, k4, k5 = jax.random.split(key, 5)
    batch_ids = jnp.sort(jax.random.randint(k1, (N,), 0, B, dtype=jnp.int32))
    spatial_coords = jax.random.randint(k2, (N, 3), 0, R, dtype=jnp.int32)
    voxel_feats = jax.random.normal(k3, (N, D), dtype=jnp.float32)
    peak_indices = jax.random.randint(k4, (P,), 0, N, dtype=jnp.int32)
    centroid_confidences = jax.random.uniform(k5, (P, 1), dtype=jnp.float32)
    return {
        'voxel_feats': voxel_feats,
        'centroid_confidences': centroid_confidences,
        'batch_ids': batch_ids,
        'spatial_coords': spatial_coords,
        'peak_indices': peak_indices,
    }

def reference(voxel_feats, centroid_confidences, batch_ids, spatial_coords, peak_indices):
    # L2-normalize voxel descriptors (torch F.normalize, eps=1e-12)
    nrm = jnp.linalg.norm(voxel_feats, axis=1, keepdims=True)
    vF = voxel_feats / jnp.maximum(nrm, 1e-12)
    # centroid descriptors: gather at peaks, scale by confidences
    cb = jnp.take(batch_ids, peak_indices, axis=0)                 # [P]
    csp = jnp.take(spatial_coords, peak_indices, axis=0)           # [P,3]
    cF = jnp.take(vF, peak_indices, axis=0) * centroid_confidences # [P,D]
    # pairwise spatial distances (no_grad in torch; ints -> no grad path here)
    a = spatial_coords.astype(jnp.float32)
    b = csp.astype(jnp.float32)
    d2 = (jnp.sum(a * a, axis=1)[:, None] + jnp.sum(b * b, axis=1)[None, :]
          - 2.0 * (a @ b.T))
    dists = jnp.maximum(jnp.sqrt(jnp.maximum(d2, 0.0)), 0.1)       # clamp(min=0.1)
    # per-batch masked softmax over centroids (vectorized equivalent of the
    # torch per-batch loop; cross-batch entries stay at fill value -inf)
    same = batch_ids[:, None] == cb[None, :]                        # [N,P]
    neg = -dists
    negm = jnp.where(same, neg, -jnp.inf)
    m = jnp.max(negm, axis=-1, keepdims=True)
    ms = jnp.where(jnp.isfinite(m), m, 0.0)
    e = jnp.where(same, jnp.exp(neg - ms), 0.0)
    attn = e / jnp.maximum(jnp.sum(e, axis=-1, keepdims=True), 1e-30)
    # affinity = (vF @ cF^T) * attn, clamped to [-10, 10]
    out = jnp.clip((vF @ cF.T) * attn, -10.0, 10.0)
    # scatter into output initialized at -inf (cross-batch entries untouched)
    out = jnp.where(same, out, -jnp.inf)
    return out

if False:  # reference __main__ guard neutralized (emitter)
    o = reference(**setup_inputs())
    print(o.shape, o.dtype)

if __name__ == "__main__":
    import jax
    _d = setup_inputs()
    print(jax.jit(kernel)(*tuple(_d.values())))

</pallas_src>

<mosaic_0001>
#map = affine_map<(d0, d1) -> (0, 0)>
#map1 = affine_map<(d0, d1) -> (0)>
module attributes {stable_mosaic.version = 14 : i64} {
  func.func @k(%arg0: i32, %arg1: i32, %arg2: memref<50000x128xf32, #tpu.memory_space<hbm>>, %arg3: memref<512xi32, #tpu.memory_space<hbm>>, %arg4: memref<512x128xf32, #tpu.memory_space<hbm>>, %arg5: memref<16xi32, #tpu.memory_space<vmem>>, %arg6: memref<16x128xf32, #tpu.memory_space<vmem>>, %arg7: memref<!tpu.dma_semaphore, #tpu.memory_space<semaphore_mem>>) attributes {dimension_semantics = [#tpu.dimension_semantics<core_parallel>, #tpu.dimension_semantics<subcore_parallel>], iteration_bounds = array<i64: 2, 16>, scalar_prefetch = 0 : i64, scratch_operands = 3 : i64, tpu.core_type = #tpu.core_type<sc_vector_subcore>, window_params = [{transform_indices = #map}, {transform_indices = #map1}, {transform_indices = #map}]} {
    %mul3A = arith.constant 2 : i32
    %mul3A_0 = arith.muli %arg1, %mul3A : i32
    %add3A = arith.addi %mul3A_0, %arg0 : i32
    %mul3A_1 = arith.constant 16 : i32
    %mul3A_2 = arith.muli %add3A, %mul3A_1 : i32
    "tpu.region"() ({
      %run_scoped3A = tpu.sem_alloc : memref<!tpu.dma_semaphore, #tpu.memory_space<semaphore_mem>>
      %dma_start3A_7 = tpu.memref_slice %arg3[%mul3A_2] : memref<512xi32, #tpu.memory_space<hbm>> -> memref<16xi32, #tpu.memory_space<hbm>>
      %dma_start3A_8 = tpu.memref_slice %arg3[%mul3A_2] : memref<512xi32, #tpu.memory_space<hbm>> -> memref<16xi32, #tpu.memory_space<hbm>>
      tpu.enqueue_dma source(%dma_start3A_8 : memref<16xi32, #tpu.memory_space<hbm>>) target(%arg5 : memref<16xi32, #tpu.memory_space<vmem>>) target_semaphore(%run_scoped3A : memref<!tpu.dma_semaphore, #tpu.memory_space<semaphore_mem>>)
      %dma_wait3A_9 = tpu.memref_slice %arg3[%mul3A_2] : memref<512xi32, #tpu.memory_space<hbm>> -> memref<16xi32, #tpu.memory_space<hbm>>
      %dma_wait3A_10 = tpu.memref_slice %arg3[%mul3A_2] : memref<512xi32, #tpu.memory_space<hbm>> -> memref<16xi32, #tpu.memory_space<hbm>>
      tpu.wait_dma2 semaphore(%run_scoped3A : memref<!tpu.dma_semaphore, #tpu.memory_space<semaphore_mem>>) src(%dma_wait3A_10 : memref<16xi32, #tpu.memory_space<hbm>>) dst(%arg5 : memref<16xi32, #tpu.memory_space<vmem>>)
      tpu.yield
    }) : () -> ()
    %dma_start3A = arith.constant 0 : i32
    %dma_start3A_3 = arith.constant 0 : i32
    %dma_start3A_4 = tpu.memref_slice %arg2[%dma_start3A, %dma_start3A_3] : memref<50000x128xf32, #tpu.memory_space<hbm>> -> memref<50000x128xf32, #tpu.memory_space<hbm>>
    tpu.enqueue_indirect_dma source(%dma_start3A_4 : memref<50000x128xf32, #tpu.memory_space<hbm>>) target(%arg6 : memref<16x128xf32, #tpu.memory_space<vmem>>) offsets(%arg5 : memref<16xi32, #tpu.memory_space<vmem>>) semaphore(%arg7 : memref<!tpu.dma_semaphore, #tpu.memory_space<semaphore_mem>>)
    %dma_wait3A = arith.constant 0 : i32
    %dma_wait3A_5 = arith.constant 0 : i32
    %dma_wait3A_6 = tpu.memref_slice %arg2[%dma_wait3A, %dma_wait3A_5] : memref<50000x128xf32, #tpu.memory_space<hbm>> -> memref<50000x128xf32, #tpu.memory_space<hbm>>
    tpu.wait_indirect_dma semaphore(%arg7 : memref<!tpu.dma_semaphore, #tpu.memory_space<semaphore_mem>>) src(%dma_wait3A_6 : memref<50000x128xf32, #tpu.memory_space<hbm>>) dst(%arg6 : memref<16x128xf32, #tpu.memory_space<vmem>>)
    "tpu.region"() ({
      %run_scoped3A = tpu.sem_alloc : memref<!tpu.dma_semaphore, #tpu.memory_space<semaphore_mem>>
      %dma_start3A_7 = arith.constant 0 : i32
      %dma_start3A_8 = tpu.memref_slice %arg4[%mul3A_2, %dma_start3A_7] : memref<512x128xf32, #tpu.memory_space<hbm>> -> memref<16x128xf32, #tpu.memory_space<hbm>>
      %dma_start3A_9 = arith.constant 0 : i32
      %dma_start3A_10 = tpu.memref_slice %arg4[%mul3A_2, %dma_start3A_9] : memref<512x128xf32, #tpu.memory_space<hbm>> -> memref<16x128xf32, #tpu.memory_space<hbm>>
      tpu.enqueue_dma source(%arg6 : memref<16x128xf32, #tpu.memory_space<vmem>>) target(%dma_start3A_10 : memref<16x128xf32, #tpu.memory_space<hbm>>) target_semaphore(%run_scoped3A : memref<!tpu.dma_semaphore, #tpu.memory_space<semaphore_mem>>)
      %dma_wait3A_11 = arith.constant 0 : i32
      %dma_wait3A_12 = tpu.memref_slice %arg4[%mul3A_2, %dma_wait3A_11] : memref<512x128xf32, #tpu.memory_space<hbm>> -> memref<16x128xf32, #tpu.memory_space<hbm>>
      %dma_wait3A_13 = arith.constant 0 : i32
      %dma_wait3A_14 = tpu.memref_slice %arg4[%mul3A_2, %dma_wait3A_13] : memref<512x128xf32, #tpu.memory_space<hbm>> -> memref<16x128xf32, #tpu.memory_space<hbm>>
      tpu.wait_dma2 semaphore(%run_scoped3A : memref<!tpu.dma_semaphore, #tpu.memory_space<semaphore_mem>>) src(%arg6 : memref<16x128xf32, #tpu.memory_space<vmem>>) dst(%dma_wait3A_14 : memref<16x128xf32, #tpu.memory_space<hbm>>)
      tpu.yield
    }) : () -> ()
    return
  }
}

module attributes {stable_mosaic.version = 14 : i64} {
  func.func @_build_body(%arg0: i32, %arg1: memref<64x4096xf32, #tpu.memory_space<vmem>>, %arg2: memref<3x4096xi32, #tpu.memory_space<vmem>>, %arg3: memref<1x4096xi32, #tpu.memory_space<vmem>>, %arg4: memref<4096x128xf32, #tpu.memory_space<vmem>>) attributes {dimension_semantics = [#tpu.dimension_semantics<arbitrary>], iteration_bounds = array<i64: 13>, scalar_prefetch = 0 : i64, scratch_operands = 0 : i64, tpu.core_type = #tpu.core_type<tc>, window_params = [{transform_indices = @transform_0, window_bounds = array<i64: 64, 4096>}, {transform_indices = @transform_1, window_bounds = array<i64: 3, 4096>}, {transform_indices = @transform_2, window_bounds = array<i64: 1, 4096>}, {transform_indices = @transform_3, window_bounds = array<i64: 4096, 128>}]} {
    %get3A = arith.constant 0 : index
    %get3A_0 = arith.constant 0 : index
    %get3A_1 = vector.load %arg1[%get3A, %get3A_0] : memref<64x4096xf32, #tpu.memory_space<vmem>>, vector<64x4096xf32>
    %get3A_2 = arith.constant 0 : index
    %get3A_3 = arith.constant 0 : index
    %get3A_4 = vector.load %arg2[%get3A_2, %get3A_3] : memref<3x4096xi32, #tpu.memory_space<vmem>>, vector<3x4096xi32>
    %convert_element_type3A = arith.sitofp %get3A_4 : vector<3x4096xi32> to vector<3x4096xf32>
    %get3A_5 = arith.constant 0 : index
    %get3A_6 = arith.constant 0 : index
    %get3A_7 = vector.load %arg3[%get3A_5, %get3A_6] : memref<1x4096xi32, #tpu.memory_space<vmem>>, vector<1x4096xi32>
    %convert_element_type3A_8 = arith.sitofp %get3A_7 : vector<1x4096xi32> to vector<1x4096xf32>
    %mul3A = arith.constant 5.000000e+02 : f32
    %mul3A_9 = vector.broadcast %mul3A : f32 to vector<1x4096xf32>
    %mul3A_10 = arith.mulf %convert_element_type3A_8, %mul3A_9 : vector<1x4096xf32>
    %broadcast_in_dim3A = arith.constant 1.000000e+00 : f32
    %broadcast_in_dim3A_11 = vector.broadcast %broadcast_in_dim3A : f32 to vector<1x4096xf32>
    %mul3A_12 = arith.mulf %convert_element_type3A, %convert_element_type3A : vector<3x4096xf32>
    %reduce_sum3A = arith.constant dense<0.000000e+00> : vector<4096xf32>
    %reduce_sum3A_13 = vector.multi_reduction <add>, %mul3A_12, %reduce_sum3A [0] : vector<3x4096xf32> to vector<4096xf32>
    %broadcast_in_dim3A_14 = vector.shape_cast %reduce_sum3A_13 : vector<4096xf32> to vector<1x4096xf32>
    %mul3A_15 = arith.mulf %mul3A_10, %mul3A_10 : vector<1x4096xf32>
    %add3A = arith.addf %broadcast_in_dim3A_14, %mul3A_15 : vector<1x4096xf32>
    %concatenate3A = tpu.concatenate %convert_element_type3A, %mul3A_10, %broadcast_in_dim3A_11, %add3A in 0 : vector<3x4096xf32>, vector<1x4096xf32>, vector<1x4096xf32>, vector<1x4096xf32> -> vector<6x4096xf32>
    %broadcast_in_dim3A_16 = arith.constant 0.000000e+00 : f32
    %broadcast_in_dim3A_17 = vector.broadcast %broadcast_in_dim3A_16 : f32 to vector<4096x58xf32>
    %transpose3A = tpu.transpose %get3A_1, [1, 0] : vector<64x4096xf32> -> vector<4096x64xf32>
    %transpose3A_18 = tpu.transpose %concatenate3A, [1, 0] : vector<6x4096xf32> -> vector<4096x6xf32>
    %concatenate3A_19 = tpu.concatenate %transpose3A, %transpose3A_18, %broadcast_in_dim3A_17 in 1 : vector<4096x64xf32>, vector<4096x6xf32>, vector<4096x58xf32> -> vector<4096x128xf32>
    %swap3A = arith.constant 0 : index
    %swap3A_20 = arith.constant 0 : index
    %swap3A_21 = vector.load %arg4[%swap3A, %swap3A_20] : memref<4096x128xf32, #tpu.memory_space<vmem>>, vector<4096x128xf32>
    tpu.vector_store %arg4[%swap3A, %swap3A_20], %concatenate3A_19 {strides = array<i32>} : memref<4096x128xf32, #tpu.memory_space<vmem>>, vector<4096x128xf32>,
    return
  }
  func.func @transform_0(%arg0: i32) -> (i32, i32) {
    %c0_i32 = arith.constant 0 : i32
    %c0_i32_0 = arith.constant 0 : i32
    return %c0_i32, %arg0 : i32, i32
  }
  func.func @transform_1(%arg0: i32) -> (i32, i32) {
    %c0_i32 = arith.constant 0 : i32
    %c0_i32_0 = arith.constant 0 : i32
    return %c0_i32, %arg0 : i32, i32
  }
  func.func @transform_2(%arg0: i32) -> (i32, i32) {
    %c0_i32 = arith.constant 0 : i32
    %c0_i32_0 = arith.constant 0 : i32
    return %c0_i32, %arg0 : i32, i32
  }
  func.func @transform_3(%arg0: i32) -> (i32, i32) {
    %c0_i32 = arith.constant 0 : i32
    %c0_i32_0 = arith.constant 0 : i32
    return %arg0, %c0_i32 : i32, i32
  }
}

module attributes {stable_mosaic.version = 14 : i64} {
  func.func @_tc_body(%arg0: i32, %arg1: memref<64x4096xf32, #tpu.memory_space<vmem>>, %arg2: memref<3x4096xi32, #tpu.memory_space<vmem>>, %arg3: memref<1x4096xi32, #tpu.memory_space<vmem>>, %arg4: memref<512x128xf32, #tpu.memory_space<vmem>>, %arg5: memref<1x512xf32, #tpu.memory_space<vmem>>, %arg6: memref<4096x512xf32, #tpu.memory_space<vmem>>, %arg7: memref<64x512xf32, #tpu.memory_space<vmem>>, %arg8: memref<6x512xf32, #tpu.memory_space<vmem>>) attributes {dimension_semantics = [#tpu.dimension_semantics<arbitrary>], iteration_bounds = array<i64: 13>, scalar_prefetch = 0 : i64, scratch_operands = 2 : i64, tpu.core_type = #tpu.core_type<tc>, window_params = [{transform_indices = @transform_0, window_bounds = array<i64: 64, 4096>}, {transform_indices = @transform_1, window_bounds = array<i64: 3, 4096>}, {transform_indices = @transform_2, window_bounds = array<i64: 1, 4096>}, {pipeline_mode = #tpu.pipeline_mode<synchronous>, transform_indices = @transform_3, window_bounds = array<i64: 512, 128>}, {pipeline_mode = #tpu.pipeline_mode<synchronous>, transform_indices = @transform_4, window_bounds = array<i64: 1, 512>}, {transform_indices = @transform_5, window_bounds = array<i64: 4096, 512>}]} {
    %eq3A = arith.constant 0 : i32
    %eq3A_0 = arith.cmpi eq, %arg0, %eq3A : i32
    %convert_element_type3A = arith.extui %eq3A_0 : i1 to i32
    %cond3A = arith.constant 0 : i32
    %cond3A_1 = arith.cmpi ne, %convert_element_type3A, %cond3A : i32
    scf.if %cond3A_1 {
      %get3A_68 = arith.constant 0 : index
      %get3A_69 = arith.constant 0 : index
      %get3A_70 = vector.load %arg4[%get3A_68, %get3A_69] : memref<512x128xf32, #tpu.memory_space<vmem>>, vector<512x128xf32>
      %slice3A = vector.extract_strided_slice %get3A_70 {offsets = [0, 0], sizes = [512, 64], strides = [1, 1]} : vector<512x128xf32> to vector<512x64xf32>
      %mul3A_71 = arith.mulf %slice3A, %slice3A : vector<512x64xf32>
      %reduce_sum3A_72 = arith.constant dense<0.000000e+00> : vector<512xf32>
      %reduce_sum3A_73 = vector.multi_reduction <add>, %mul3A_71, %reduce_sum3A_72 [1] : vector<512x64xf32> to vector<512xf32>
      %broadcast_in_dim3A_74 = vector.shape_cast %reduce_sum3A_73 : vector<512xf32> to vector<512x1xf32>
      %max3A_75 = arith.constant 1.000000e-24 : f32
      %max3A_76 = vector.broadcast %max3A_75 : f32 to vector<512x1xf32>
      %max3A_77 = arith.maximumf %broadcast_in_dim3A_74, %max3A_76 : vector<512x1xf32>
      %rsqrt3A_78 = math.rsqrt %max3A_77 : vector<512x1xf32>
      %mul3A_79 = vector.broadcast %rsqrt3A_78 : vector<512x1xf32> to vector<512x64xf32>
      %mul3A_80 = arith.mulf %slice3A, %mul3A_79 : vector<512x64xf32>
      %transpose3A = tpu.transpose %mul3A_80, [1, 0] : vector<512x64xf32> -> vector<64x512xf32>
      %get3A_81 = arith.constant 0 : index
      %get3A_82 = arith.constant 0 : index
      %get3A_83 = vector.load %arg5[%get3A_81, %get3A_82] : memref<1x512xf32, #tpu.memory_space<vmem>>, vector<1x512xf32>
      %mul3A_84 = vector.broadcast %get3A_83 : vector<1x512xf32> to vector<64x512xf32>
      %mul3A_85 = arith.mulf %transpose3A, %mul3A_84 : vector<64x512xf32>
      %swap3A_86 = arith.constant 0 : index
      %swap3A_87 = arith.constant 0 : index
      %swap3A_88 = vector.load %arg7[%swap3A_86, %swap3A_87] : memref<64x512xf32, #tpu.memory_space<vmem>>, vector<64x512xf32>
      tpu.vector_store %arg7[%swap3A_86, %swap3A_87], %mul3A_85 {strides = array<i32>} : memref<64x512xf32, #tpu.memory_space<vmem>>, vector<64x512xf32>,
      %slice3A_89 = vector.extract_strided_slice %get3A_70 {offsets = [0, 64], sizes = [512, 8], strides = [1, 1]} : vector<512x128xf32> to vector<512x8xf32>
      %transpose3A_90 = tpu.transpose %slice3A_89, [1, 0] : vector<512x8xf32> -> vector<8x512xf32>
      %slice3A_91 = vector.extract_strided_slice %transpose3A_90 {offsets = [0, 0], sizes = [4, 512], strides = [1, 1]} : vector<8x512xf32> to vector<4x512xf32>
      %slice3A_92 = vector.extract_strided_slice %transpose3A_90 {offsets = [5, 0], sizes = [1, 512], strides = [1, 1]} : vector<8x512xf32> to vector<1x512xf32>
      %mul3A_93 = arith.constant -2.000000e+00 : f32
      %mul3A_94 = vector.broadcast %mul3A_93 : f32 to vector<4x512xf32>
      %mul3A_95 = arith.mulf %mul3A_94, %slice3A_91 : vector<4x512xf32>
      %broadcast_in_dim3A_96 = arith.constant 1.000000e+00 : f32
      %broadcast_in_dim3A_97 = vector.broadcast %broadcast_in_dim3A_96 : f32 to vector<1x512xf32>
      %concatenate3A_98 = tpu.concatenate %mul3A_95, %slice3A_92, %broadcast_in_dim3A_97 in 0 : vector<4x512xf32>, vector<1x512xf32>, vector<1x512xf32> -> vector<6x512xf32>
      %swap3A_99 = arith.constant 0 : index
      %swap3A_100 = arith.constant 0 : index
      %swap3A_101 = vector.load %arg8[%swap3A_99, %swap3A_100] : memref<6x512xf32, #tpu.memory_space<vmem>>, vector<6x512xf32>
      tpu.vector_store %arg8[%swap3A_99, %swap3A_100], %concatenate3A_98 {strides = array<i32>} : memref<6x512xf32, #tpu.memory_space<vmem>>, vector<6x512xf32>,
    } else {
    }
    %get3A = arith.constant 0 : index
    %get3A_2 = arith.constant 0 : index
    %get3A_3 = vector.load %arg1[%get3A, %get3A_2] : memref<64x4096xf32, #tpu.memory_space<vmem>>, vector<64x4096xf32>
    %mul3A = arith.mulf %get3A_3, %get3A_3 : vector<64x4096xf32>
    %reduce_sum3A = arith.constant dense<0.000000e+00> : vector<4096xf32>
    %reduce_sum3A_4 = vector.multi_reduction <add>, %mul3A, %reduce_sum3A [0] : vector<64x4096xf32> to vector<4096xf32>
    %broadcast_in_dim3A = vector.shape_cast %reduce_sum3A_4 : vector<4096xf32> to vector<1x4096xf32>
    %max3A = arith.constant 1.000000e-24 : f32
    %max3A_5 = vector.broadcast %max3A : f32 to vector<1x4096xf32>
    %max3A_6 = arith.maximumf %broadcast_in_dim3A, %max3A_5 : vector<1x4096xf32>
    %rsqrt3A = math.rsqrt %max3A_6 : vector<1x4096xf32>
    %mul3A_7 = vector.broadcast %rsqrt3A : vector<1x4096xf32> to vector<64x4096xf32>
    %mul3A_8 = arith.mulf %get3A_3, %mul3A_7 : vector<64x4096xf32>
    %get3A_9 = arith.constant 0 : index
    %get3A_10 = arith.constant 0 : index
    %get3A_11 = vector.load %arg7[%get3A_9, %get3A_10] : memref<64x512xf32, #tpu.memory_space<vmem>>, vector<64x512xf32>
    %dot_general3A = arith.constant dense<0.000000e+00> : vector<4096x512xf32>
    %dot_general3A_12 = tpu.matmul %mul3A_8, %get3A_11, %dot_general3A {dimension_numbers = #tpu.dot_dimension_numbers<[0], [0], [1], [1], [0, 1, 1, 1], [], []>, transpose_lhs_hint = false} : vector<64x4096xf32>, vector<64x512xf32>, vector<4096x512xf32> -> vector<4096x512xf32>
    %get3A_13 = arith.constant 0 : index
    %get3A_14 = arith.constant 0 : index
    %get3A_15 = vector.load %arg2[%get3A_13, %get3A_14] : memref<3x4096xi32, #tpu.memory_space<vmem>>, vector<3x4096xi32>
    %convert_element_type3A_16 = arith.sitofp %get3A_15 : vector<3x4096xi32> to vector<3x4096xf32>
    %get3A_17 = arith.constant 0 : index
    %get3A_18 = arith.constant 0 : index
    %get3A_19 = vector.load %arg3[%get3A_17, %get3A_18] : memref<1x4096xi32, #tpu.memory_space<vmem>>, vector<1x4096xi32>
    %convert_element_type3A_20 = arith.sitofp %get3A_19 : vector<1x4096xi32> to vector<1x4096xf32>
    %mul3A_21 = arith.constant 5.000000e+02 : f32
    %mul3A_22 = vector.broadcast %mul3A_21 : f32 to vector<1x4096xf32>
    %mul3A_23 = arith.mulf %convert_element_type3A_20, %mul3A_22 : vector<1x4096xf32>
    %broadcast_in_dim3A_24 = arith.constant 1.000000e+00 : f32
    %broadcast_in_dim3A_25 = vector.broadcast %broadcast_in_dim3A_24 : f32 to vector<1x4096xf32>
    %mul3A_26 = arith.mulf %convert_element_type3A_16, %convert_element_type3A_16 : vector<3x4096xf32>
    %reduce_sum3A_27 = arith.constant dense<0.000000e+00> : vector<4096xf32>
    %reduce_sum3A_28 = vector.multi_reduction <add>, %mul3A_26, %reduce_sum3A_27 [0] : vector<3x4096xf32> to vector<4096xf32>
    %broadcast_in_dim3A_29 = vector.shape_cast %reduce_sum3A_28 : vector<4096xf32> to vector<1x4096xf32>
    %mul3A_30 = arith.mulf %mul3A_23, %mul3A_23 : vector<1x4096xf32>
    %add3A = arith.addf %broadcast_in_dim3A_29, %mul3A_30 : vector<1x4096xf32>
    %concatenate3A = tpu.concatenate %convert_element_type3A_16, %mul3A_23, %broadcast_in_dim3A_25, %add3A in 0 : vector<3x4096xf32>, vector<1x4096xf32>, vector<1x4096xf32>, vector<1x4096xf32> -> vector<6x4096xf32>
    %get3A_31 = arith.constant 0 : index
    %get3A_32 = arith.constant 0 : index
    %get3A_33 = vector.load %arg8[%get3A_31, %get3A_32] : memref<6x512xf32, #tpu.memory_space<vmem>>, vector<6x512xf32>
    %dot_general3A_34 = arith.constant dense<0.000000e+00> : vector<4096x512xf32>
    %dot_general3A_35 = tpu.matmul %concatenate3A, %get3A_33, %dot_general3A_34 {dimension_numbers = #tpu.dot_dimension_numbers<[0], [0], [1], [1], [0, 1, 1, 1], [], []>, transpose_lhs_hint = false} : vector<6x4096xf32>, vector<6x512xf32>, vector<4096x512xf32> -> vector<4096x512xf32>
    %max3A_36 = arith.constant 0.00999999977 : f32
    %max3A_37 = vector.broadcast %max3A_36 : f32 to vector<4096x512xf32>
    %max3A_38 = arith.maximumf %dot_general3A_35, %max3A_37 : vector<4096x512xf32>
    %mul3A_39 = arith.constant 1.44269502 : f32
    %mul3A_40 = vector.broadcast %mul3A_39 : f32 to vector<4096x512xf32>
    %mul3A_41 = arith.mulf %max3A_38, %mul3A_40 : vector<4096x512xf32>
    %rsqrt3A_42 = math.rsqrt %max3A_38 : vector<4096x512xf32>
    %mul3A_43 = arith.mulf %mul3A_41, %rsqrt3A_42 : vector<4096x512xf32>
    %reduce_min3A = arith.constant dense<0x7F800000> : vector<4096xf32>
    %reduce_min3A_44 = vector.multi_reduction <minimumf>, %mul3A_43, %reduce_min3A [1] : vector<4096x512xf32> to vector<4096xf32>
    %broadcast_in_dim3A_45 = vector.shape_cast %reduce_min3A_44 : vector<4096xf32> to vector<4096x1xf32>
    %sub3A = vector.broadcast %broadcast_in_dim3A_45 : vector<4096x1xf32> to vector<4096x512xf32>
    %sub3A_46 = arith.subf %sub3A, %mul3A_43 : vector<4096x512xf32>
    %exp23A = math.exp2 %sub3A_46 : vector<4096x512xf32>
    %reduce_sum3A_47 = arith.constant dense<0.000000e+00> : vector<4096xf32>
    %reduce_sum3A_48 = vector.multi_reduction <add>, %exp23A, %reduce_sum3A_47 [1] : vector<4096x512xf32> to vector<4096xf32>
    %broadcast_in_dim3A_49 = vector.shape_cast %reduce_sum3A_48 : vector<4096xf32> to vector<4096x1xf32>
    %max3A_50 = arith.constant 1.000000e-30 : f32
    %max3A_51 = vector.broadcast %max3A_50 : f32 to vector<4096x1xf32>
    %max3A_52 = arith.maximumf %broadcast_in_dim3A_49, %max3A_51 : vector<4096x1xf32>
    %div3A = arith.constant 1.000000e+00 : f32
    %div3A_53 = vector.broadcast %div3A : f32 to vector<4096x1xf32>
    %div3A_54 = arith.divf %div3A_53, %max3A_52 : vector<4096x1xf32>
    %mul3A_55 = vector.broadcast %div3A_54 : vector<4096x1xf32> to vector<4096x512xf32>
    %mul3A_56 = arith.mulf %exp23A, %mul3A_55 : vector<4096x512xf32>
    %mul3A_57 = arith.mulf %dot_general3A_12, %mul3A_56 : vector<4096x512xf32>
    %jit3A = arith.constant -1.000000e+01 : f32
    %jit3A_58 = arith.constant 1.000000e+01 : f32
    %max3A_59 = vector.broadcast %jit3A : f32 to vector<4096x512xf32>
    %max3A_60 = arith.maximumf %max3A_59, %mul3A_57 : vector<4096x512xf32>
    %min3A = vector.broadcast %jit3A_58 : f32 to vector<4096x512xf32>
    %min3A_61 = arith.minimumf %min3A, %max3A_60 : vector<4096x512xf32>
    %lt3A = arith.constant 1.250000e+05 : f32
    %lt3A_62 = vector.broadcast %lt3A : f32 to vector<4096x512xf32>
    %lt3A_63 = arith.cmpf olt, %dot_general3A_35, %lt3A_62 : vector<4096x512xf32>
    %jit3A_64 = arith.constant 0xFF800000 : f32
    %broadcast_in_dim3A_65 = vector.broadcast %jit3A_64 : f32 to vector<4096x512xf32>
    %select_n3A = arith.select %lt3A_63, %min3A_61, %broadcast_in_dim3A_65 : vector<4096x512xi1>, vector<4096x512xf32>
    %swap3A = arith.constant 0 : index
    %swap3A_66 = arith.constant 0 : index
    %swap3A_67 = vector.load %arg6[%swap3A, %swap3A_66] : memref<4096x512xf32, #tpu.memory_space<vmem>>, vector<4096x512xf32>
    tpu.vector_store %arg6[%swap3A, %swap3A_66], %select_n3A {strides = array<i32>} : memref<4096x512xf32, #tpu.memory_space<vmem>>, vector<4096x512xf32>,
    return
  }
  func.func @transform_0(%arg0: i32) -> (i32, i32) {
    %c0_i32 = arith.constant 0 : i32
    %c0_i32_0 = arith.constant 0 : i32
    return %c0_i32, %arg0 : i32, i32
  }
  func.func @transform_1(%arg0: i32) -> (i32, i32) {
    %c0_i32 = arith.constant 0 : i32
    %c0_i32_0 = arith.constant 0 : i32
    return %c0_i32, %arg0 : i32, i32
  }
  func.func @transform_2(%arg0: i32) -> (i32, i32) {
    %c0_i32 = arith.constant 0 : i32
    %c0_i32_0 = arith.constant 0 : i32
    return %c0_i32, %arg0 : i32, i32
  }
  func.func @transform_3(%arg0: i32) -> (i32, i32) {
    %c0_i32 = arith.constant 0 : i32
    %c0_i32_0 = arith.constant 0 : i32
    %c0_i32_1 = arith.constant 0 : i32
    return %c0_i32, %c0_i32_0 : i32, i32
  }
  func.func @transform_4(%arg0: i32) -> (i32, i32) {
    %c0_i32 = arith.constant 0 : i32
    %c0_i32_0 = arith.constant 0 : i32
    %c0_i32_1 = arith.constant 0 : i32
    return %c0_i32, %c0_i32_0 : i32, i32
  }
  func.func @transform_5(%arg0: i32) -> (i32, i32) {
    %c0_i32 = arith.constant 0 : i32
    %c0_i32_0 = arith.constant 0 : i32
    return %arg0, %c0_i32 : i32, i32
  }
}

</mosaic_0001>

<sc_bundles>
// kernel: kernel.5.cloned.1.call-start
scs
__scs_entry_jumppad:
0x0: {  	(pc) =	sbr.rel $0x88, $3  }
0x1: {  	(tag) =	ssettag $0x0;
	lr =	simm.s32 $0x1  }
0x2: {  	[smem:$0x3F9C] =	sst lr;
	_ =	strace $0xD0000000  }
0x3: {  	_ = 	snop  }
0x4: {  	_ = 	snop  }
0x5: {  	_ = 	snop  }
0x6: {  	_ = 	snop  }
0x7: {  	_ = 	snop  }
__scs_overlays_trampoline_lowered:
0x8: {  	[smem:$0x3FAB] =	sst s0  }
0x9: {  	[smem:$0x3FAC] =	sst s1  }
0xa: {  	[smem:$0x3FAD] =	sst s2  }
0xb: {  	[smem:$0x3FAE] =	sst s3  }
0xc: {  	[smem:$0x3FAF] =	sst s4  }
0xd: {  	[smem:$0x3FB0] =	sst s5  }
0xe: {  	[smem:$0x3FB1] =	sst s6  }
0xf: {  	[smem:$0x3FB2] =	sst s7  }
0x10: {  	[smem:$0x3FB3] =	sst s8  }
0x11: {  	[smem:$0x3FB4] =	sst s9;
	s0 =	simm.s32 @!p0 $0x0  }
0x12: {  	s1 =	sld [smem:$0x3F9A];
	s0 =	simm.s32 @p0 $0x1  }
0x13: {  	[smem:$0x3FB5] =	sst s0;
	s0 =	simm.s32 @!p1 $0x0  }
0x14: {  	s2 =	sld [smem:$0x3F99];
	s0 =	simm.s32 @p1 $0x1  }
0x15: {  	[smem:$0x3FB6] =	sst s0;
	s0 =	simm.s32 @!p2 $0x0  }
0x16: {  	s3 =	sld [smem:$0x3FDB];
	s0 =	simm.s32 @p2 $0x1  }
0x17: {  	s4 =	simm.s32 $0x1BF5;
	[smem:$0x3FB8] =	sst s0  }
0x18: {  	s0 =	sld [smem:$0x3F9B];
	_ =	swait.ge [sflag:s4], $0x0  }
0x19: {  	s7 =	sld [smem:$0x3F9C]  }
0x1a: {  	s8 =	sadd.s32 $0xFFFFE003, lr  }
0x1b: {  	s9 =	sadd.s32 $0xFFFFFEF7, lr;
	s5 =	simm.s32 $0xFFFFFFFF;
	p2 =	slt.u32 s8, $0xFFFFF086  }
0x1c: {  	p1 =	slt.u32 s9, $0xF7A;
	s5 =	simm.s32 @!p2 $0x0  }
0x1d: {  	s5 =	simm.s32 @p1 $0x1;
	p0 =	seq.s32 s7, s2  }
0x1e: {  	s7 =	smul.u32 @!p0 $0xF7A, s2;
	p2 =	seq.s32 @!p0 s5, $0x0  }
0x1f: {  	s9 =	smul.u32 $0xF7A, s1;
	s8 =	simm.s32 @!p0 $0x1BF5;
	p2 =	por !p2, p0  }
0x20: {  	[sflag:s8] =	ssyncset.s32 @!p0 $0xFFFFF086;
	s6 =	sadd.s32 @!p0 s3, s7;
	s7 =	simm.s32 @!p0 $0x108  }
0x21: {  	s3 =	sadd.s32 s3, s9;
	s6 =	sadd.s32 @!p0 $0x88, s6;
	s7 =	simm.s32 @p2 $0x1082  }
0x22: {  	[simem:s7], [sflag:s8] =	dma.local @!p0 [hbm:s6], $0xF7A  }
0x23: {  	s9 =	sor.u32 $0xD0000000, s2;
	s6 =	simm.s32 $0x108;
	_ =	swait.ge @!p0 [sflag:s8], $0x0  }
0x24: {  	s3 =	sadd.s32 $0x88, s3;
	s6 =	simm.s32 @!p1 $0x1082;
	[sflag:s4] =	ssyncset.s32 $0xFFFFF086  }
0x25: {  	[simem:s6], [sflag:s4] =	dma.local [hbm:s3], $0xF7A  }
0x26: {  	[smem:$0x3F9C] =	sst s1;
	(tag) =	ssettag s2;
	_ =	strace s9  }
0x27: {  	s1 =	sld [smem:$0x3FAC]  }
0x28: {  	s2 =	sld [smem:$0x3FAD]  }
0x29: {  	s4 =	sld [smem:$0x3FAF]  }
0x2a: {  	p0 =	seq.s32 s5, $0x0;
	s5 =	sld [smem:$0x3FB0]  }
0x2b: {  	s6 =	sld [smem:$0x3FB1]  }
0x2c: {  	s7 =	sld [smem:$0x3FB2]  }
0x2d: {  	s3 =	simm.s32 $0x108;
	s8 =	sld [smem:$0x3FB3]  }
0x2e: {  	s3 =	simm.s32 @!p0 $0x1082;
	s9 =	sld [smem:$0x3FB4]  }
0x2f: {  	lr =	sadd.s32 s0, s3;
	s0 =	sld [smem:$0x3FAB]  }
0x30: {  	s3 =	sld [smem:$0x3FAE]  }
0x31: {  	[smem:$0x3FB7] =	sst s10  }
0x32: {  	s10 =	sld [smem:$0x3FB5];
	_ =	sdelay $0x3  }
0x33: {  	p0 =	seq.s32 s10, $0x1;
	s10 =	sld [smem:$0x3FB7];
	_ =	sdelay $0x3  }
0x34: {  	[smem:$0x3FB7] =	sst s10  }
0x35: {  	s10 =	sld [smem:$0x3FB6];
	_ =	sdelay $0x3  }
0x36: {  	p1 =	seq.s32 s10, $0x1;
	s10 =	sld [smem:$0x3FB7];
	_ =	sdelay $0x3  }
0x37: {  	[smem:$0x3FB7] =	sst s10  }
0x38: {  	s10 =	sld [smem:$0x3FB8]  }
0x39: {  	_ = 	snop;
	(pc) =	sbr.ind lr, $3  }
0x3a: {  	_ = 	snop  }
0x3b: {  	_ = 	snop  }
0x3c: {  	p2 =	seq.s32 s10, $0x1;
	s10 =	sld [smem:$0x3FB7]  }
0x3d: {  	_ =	shalt  }
0x3e: {  	_ =	shalt  }
0x3f: {  	_ =	shalt  }
0x40: {  	_ =	shalt  }
0x41: {  	_ =	shalt  }
0x42: {  	_ =	shalt  }
0x43: {  	_ =	shalt  }
0x44: {  	_ =	shalt  }
0x45: {  	_ =	shalt  }
0x46: {  	_ =	shalt  }
0x47: {  	_ =	shalt  }
0x48: {  	_ =	shalt  }
0x49: {  	_ =	shalt  }
0x4a: {  	_ =	shalt  }
0x4b: {  	_ =	shalt  }
0x4c: {  	_ =	shalt  }
0x4d: {  	_ =	shalt  }
0x4e: {  	_ =	shalt  }
0x4f: {  	_ =	shalt  }
0x50: {  	_ =	shalt  }
0x51: {  	_ =	shalt  }
0x52: {  	_ =	shalt  }
0x53: {  	_ =	shalt  }
0x54: {  	_ =	shalt  }
0x55: {  	_ =	shalt  }
0x56: {  	_ =	shalt  }
0x57: {  	_ =	shalt  }
0x58: {  	_ =	shalt  }
0x59: {  	_ =	shalt  }
0x5a: {  	_ =	shalt  }
0x5b: {  	_ =	shalt  }
0x5c: {  	_ =	shalt  }
0x5d: {  	_ =	shalt  }
0x5e: {  	_ =	shalt  }
0x5f: {  	_ =	shalt  }
0x60: {  	_ =	shalt  }
0x61: {  	_ =	shalt  }
0x62: {  	_ =	shalt  }
0x63: {  	_ =	shalt  }
0x64: {  	_ =	shalt  }
0x65: {  	_ =	shalt  }
0x66: {  	_ =	shalt  }
0x67: {  	_ =	shalt  }
0x68: {  	_ =	shalt  }
0x69: {  	_ =	shalt  }
0x6a: {  	_ =	shalt  }
0x6b: {  	_ =	shalt  }
0x6c: {  	_ =	shalt  }
0x6d: {  	_ =	shalt  }
0x6e: {  	_ =	shalt  }
0x6f: {  	_ =	shalt  }
0x70: {  	_ =	shalt  }
0x71: {  	_ =	shalt  }
0x72: {  	_ =	shalt  }
0x73: {  	_ =	shalt  }
0x74: {  	_ =	shalt  }
0x75: {  	_ =	shalt  }
0x76: {  	_ =	shalt  }
0x77: {  	_ =	shalt  }
0x78: {  	_ =	shalt  }
0x79: {  	_ =	shalt  }
0x7a: {  	_ =	shalt  }
0x7b: {  	_ =	shalt  }
0x7c: {  	_ =	shalt  }
0x7d: {  	_ =	shalt  }
0x7e: {  	_ =	shalt  }
0x7f: {  	_ =	shalt  }
0x80: {  	_ =	shalt  }
0x81: {  	_ =	shalt  }
0x82: {  	_ =	shalt  }
0x83: {  	_ =	shalt  }
0x84: {  	_ =	shalt  }
0x85: {  	_ =	shalt  }
0x86: {  	_ =	shalt  }
0x87: {  	_ =	shalt  }
.Lfunc_end0:
.L_simem_size_0:
called_computation_lowered:
.L_overlay_start_0:
0x88: {  	s2 =	sld [smem:$0x3FD9]  }
0x89: {  	s3 =	sld [smem:$0x3FFE];
	_ =	sdelay $0x1  }
0x8a: {  	s1 =	srdreg.scid  }
0x8b: {  	s0 =	sand.u32 $0x1, s1  }
0x8c: {  	s17 =	sshll.u32 s0, $0xA;
	s2 =	sadd.s32 s3, s2  }
0x8d: {  	s2 =	sadd.s32 s2, s17  }
0x8e: {  	[smem:$0x3FC3] =	sst s2  }
0x8f: {  	_ = 	snop  }
0x90: {  	s2 =	sld [smem:$0x3FC5]  }
0x91: {  	s18 =	sld [smem:$0x3FD0];
	(tm) =	ssettm $0x1  }
0x92: {  	s4 =	sld [smem:$0x3FFB];
	_ =	sdelay $0x3  }
0x93: {  	_ =	strace s4  }
0x94: {  	s4 =	sld [smem:$0x3FFC];
	_ =	sdelay $0x3  }
0x95: {  	_ =	strace s4  }
0x96: {  	s4 =	sld [smem:$0x3FFD];
	_ =	sdelay $0x3  }
0x97: {  	_ =	strace s4  }
0x98: {  	_ =	strace $0x8FFFFFFF  }
0x99: {  	s19 =	sld [smem:$0x3FDB];
	_ =	sdelay $0x1  }
0x9a: {  	s5 =	simm.s32 $_scs_section_size  }
0x9b: {  	s6 =	simm.s32 $_size__tile_overlayer_lowered;
	s7 =	simm.s32 $_tile_overlayer_lowered  }
0x9c: {  	s22 =	simm.s32 $0x1BFF;
	s21 =	sshll.u32 s7, $0x1;
	s4 =	sadd.s32 s5, s19  }
0x9d: {  	s8 =	simm.s32 $0x0;
	s20 =	sshll.u32 s6, $0x1;
	s6 =	sadd.s32 s21, s4  }
0x9e: {  	[timem:s8], [sflag:s22] =	dma.local [hbm:s6], s20  }
0x9f: {  	_ =	swait.ge [sflag:s22], s20  }
0xa0: {  	s5 =	ssub.s32 $0x0, s20;
	[sflag:s22] =	ssyncset.done $0x0  }
0xa1: {  	[sflag:s22] =	ssyncadd.s32 s5;
	_ =	sdelay $0x1  }
0xa2: {  	s23 =	simm.s32 $0x1B8B  }
0xa3: {  	_ =	swait.ge [sflag:s23], $0x1  }
0xa4: {  	[sflag:s23] =	ssyncset.done $0x0  }
0xa5: {  	s25 =	simm.s32 $0x1B8E;
	s24 =	sld [smem:$0x3FFE];
	[sflag:s23] =	ssyncadd.s32 $0xFFFFFFFF  }
0xa6: {  	s26 =	simm.s32 $execute0_lowered;
	[smem:$0x3FD2] =	sst s25  }
0xa7: {  	s6 =	sshll.u32 s26, $0x1;
	_ =	strace $0x80000046;
	[dreg:$0x1] =	wrdreg $0xFFFFFFFF  }
0xa8: {  	s28 =	simm.s32 $_size_execute0_lowered;
	s4 =	sadd.s32 s4, s6;
	[dreg:$0x0] =	wrdreg $0x0  }
0xa9: {  	s6 =	sshll.u32 s28, $0x1;
	[dreg:$0x2] =	wrdreg s4  }
0xaa: {  	[dreg:$0x3] =	wrdreg s6  }
0xab: {  	[dreg:$0x4] =	wrdreg $0xC0  }
0xac: {  	_ =	task [dreg:s8], $0x5FFFF  }
0xad: {  	[dreg:$0x1] =	wrdreg $0xFFFFFFFF  }
0xae: {  	[dreg:$0x0] =	wrdreg $0x60  }
0xaf: {  	[dreg:$0x2] =	wrdreg s18  }
0xb0: {  	[dreg:$0x3] =	wrdreg s2  }
0xb1: {  	[dreg:$0x4] =	wrdreg s24  }
0xb2: {  	[dreg:$0x5] =	wrdreg $0x9  }
0xb3: {  	_ =	task.clear_ibuf [dreg:s8], $0x6FFFF;
	_ =	strace $0x90000046  }
0xb4: {  	s29 =	simm.s32 $0x9;
	_ =	strace $0x80000048  }
0xb5: {  	_ =	swait.ge [sflag:s29], $0x1  }
0xb6: {  	[sflag:s29] =	ssyncadd.s32 $0xFFFFFFFF  }
0xb7: {  	_ =	strace $0x90000048  }
0xb8: {  	_ =	sfence  }
0xb9: {  	s30 =	sld [smem:$0x0];
	_ =	sdelay $0x2  }
0xba: {  	s31 =	sshll.u32 s1, $0xD;
	s1 =	sshrl.u32 s1, $0x2  }
0xbb: {  	s3 =	sand.u32 $0x4000, s31;
	s1 =	sadd.s32 s1, s30  }
0xbc: {  	s0 =	sor.u32 s3, s0;
	s1 =	sshll.u32 s1, $0x11  }
0xbd: {  	s0 =	sor.u32 s1, s0  }
0xbe: {  	s0 =	sadd.s32 $0x8F2B, s0  }
0xbf: {  	[sflag:s0] =	ssyncadd.remote.s32 $0x1  }
0xc0: {  	_ =	sfence.sel $0xFFFF  }
0xc1: {  	[dreg:$0x0] =	wrdreg $0xFFFFFFFF;
	(pc) =	sbr.abs _section_cstart, $3  }
0xc2: {  	[dreg:$0x1] =	wrdreg $0xFFFFFFFF  }
0xc3: {  	_ =	task.clear_ibuf [dreg:s8], $0x2FFFF;
	_ =	strace $0x9FFFFFFF  }
0xc4: {  	(tm) =	ssettm $0x7FFFFFFF  }
0xc5: {  	_ =	shalt  }
tec
execute0_lowered:
.L_overlay_start_1:
0x0: {  	(tag) =	ssettag $0x1  }
0x1: {  	s1 =	rddreg [dreg:$0x0];
	s2 =	srdreg.scid  }
0x2: {  	s4 =	rddreg [dreg:$0x1];
	s0 =	stileid.u32  }
0x3: {  	s9 =	rddreg [dreg:$0x2];
	s3 =	simm.s32 $0x0;
	s6 =	sand.u32 $0x1, s2  }
0x4: {  	s5 =	sshll.u32 s0, $0x5;
	s2 =	rddreg [dreg:$0x3];
	s7 =	sshll.u32 s6, $0x4  }
0x5: {  	s8 =	simm.s32 $0x1;
	[smem:$0x7FF] =	sst s3;
	s10 =	sor.u32 s7, s5  }
0x6: {  	_ =	strace $0x80000047;
	s11 =	ssub.s32 $0x2, s6;
	s5 =	sshrl.u32 s10, $0x3  }
0x7: {  	s6 =	simm.s32 $0x10;
	s5 =	sadd.s32 s4, s5;
	s4 =	simm.s32 $0x2  }
0x8: {  	[tilespmem:s3], [sflag:$0x2] =	stream.linear.gather [hbm4b:s5+s3], $0x10, $0x38;
	[tilespmem:$0x880] =	vst v63  }
0x9: {  	s7 =	simm.s32 $0x80;
	s12 =	sshrl.u32 s11, $0x1;
	_ =	swait.ge [sflag:s4], $0x10  }
0xa: {  	s10 =	sshll.u32 s10, $0x4;
	s31 =	ssub.s32 s11, s12;
	[sflag:s4] =	ssyncset.done $0x0  }
0xb: {  	s9 =	sadd.s32 s10, s9;
	s10 =	smax.u32 s31, $0x1;
	[sflag:s4] =	ssyncadd.s32 $0xFFFFFFF0  }
0xc: {  	[tilespmem:s7], [sflag:$0x1] =	stream.indirect.gather [hbm4b:s1+s6], $0x80, s3, s6, $0xb8;
	[tilespmem:$0x880] =	vst v63  }
0xd: {  	p0 =	sne.s32 s10, $0x1;
	_ =	swait.ge [sflag:s8], $0x800  }
.Ltmp0:
0xe: {  	[sflag:s8] =	ssyncset.done $0x0;
	(pc) =	sbr.rel @!p0 .LBB2_2-.Ltmp0, $4  }
0xf: {  	s9 =	sadd.s32 $0x1C00, s9;
	[sflag:s8] =	ssyncadd.s32 $0xFFFFF800  }
0x10: {  	[hbm4b:s9+s3] =	stream.linear.scatter [tilespmem:s7], [sflag:$0x2], $0x800, $0x38;
	[tilespmem:$0x880] =	vst v63  }
0x11: {  	_ =	swait.ge [sflag:s4], $0x800  }
0x12: {  	s10 =	sadd.s32 $0xFFFFFFFF, s10;
	[sflag:s4] =	ssyncset.done $0x0  }
.LBB2_1:
0x13: {  	p0 =	sne.s32 s10, $0x1;
	s10 =	sadd.s32 $0xFFFFFFFF, s10;
	[sflag:s4] =	ssyncadd.s32 $0xFFFFF800  }
0x14: {  	[tilespmem:s3], [sflag:$0x2] =	stream.linear.gather [hbm4b:s5+s3], $0x10, $0x38;
	[tilespmem:$0x880] =	vst v63  }
0x15: {  	_ =	swait.ge [sflag:s4], $0x10  }
0x16: {  	[sflag:s4] =	ssyncset.done $0x0  }
0x17: {  	[sflag:s4] =	ssyncadd.s32 $0xFFFFFFF0  }
0x18: {  	[tilespmem:s7], [sflag:$0x1] =	stream.indirect.gather [hbm4b:s1+s6], $0x80, s3, s6, $0xb8;
	[tilespmem:$0x880] =	vst v63  }
0x19: {  	_ =	swait.ge [sflag:s8], $0x800  }
.Ltmp1:
0x1a: {  	[sflag:s8] =	ssyncset.done $0x0;
	(pc) =	sbr.rel @p0 .LBB2_1-.Ltmp1, $4  }
0x1b: {  	[sflag:s8] =	ssyncadd.s32 $0xFFFFF800  }
0x1c: {  	[hbm4b:s9+s3] =	stream.linear.scatter [tilespmem:s7], [sflag:$0x2], $0x800, $0x38;
	[tilespmem:$0x880] =	vst v63  }
0x1d: {  	_ =	swait.ge [sflag:s4], $0x800  }
0x1e: {  	[sflag:s4] =	ssyncset.done $0x0  }
.LBB2_2:
0x1f: {  	[sflag:s4] =	ssyncadd.s32 $0xFFFFF800  }
0x20: {  	_ =	sfence.sel $0x180000  }
0x21: {  	[bflag:$0x0] =	sbarrier.arrive $0xFFFF  }
0x22: {  	p0 =	sne.s32 s0, $0x0;
	_ =	strace $0x90000047  }
0x23: {  	s0 =	sadd.s32 @!p0 $0x100000, s2;
	[bflag:$0x2] =	sbarrier.arrive $0xFFFF  }
0x24: {  	[sflag:s0] =	ssyncadd.tile.s32 @!p0 $0x1;
	_ =	shalt  }
.Lfunc_end2:
_tile_overlayer_lowered:
.L_overlay_start_2:
0x25: {  	(tag) =	ssettag $0x2  }
0x26: {  	s0 =	rddreg [dreg:$0x0];
	s2 =	stileid.u32  }
0x27: {  	s1 =	rddreg [dreg:$0x1];
	p0 =	sne.s32 s2, $0x0  }
0x28: {  	s3 =	rddreg [dreg:$0x2];
	[bflag:$0x3] =	sbarrier.arrive $0xFFFF;
	s2 =	simm.s32 @!p0 $0x1C02  }
0x29: {  	[timem:s3], [sflag:s2] =	dma.local @!p0 [hbm:s0], s1  }
0x2a: {  	s0 =	simm.s32 @!p0 $0x2  }
0x2b: {  	_ =	swait.ge @!p0 [sflag:s0], s1  }
0x2c: {  	s1 =	ssub.s32 @!p0 $0x0, s1;
	[sflag:s0] =	ssyncset.done @!p0 $0x0  }
0x2d: {  	[sflag:s0] =	ssyncadd.s32 @!p0 s1  }
0x2e: {  	[bflag:$0x3] =	sbarrier.arrive $0xFFFF  }
0x2f: {  	_ =	shalt  }

</sc_bundles>
